<compile_context>
chip_gen: v7x
topology: tpu7x:2x2x1
jax: 0.10.2.dev20260603
libtpu: 0.0.44.dev20260713+nightly
codegen_flags: <defaults>
</compile_context>

<pallas_src>
import functools

import jax
import jax.numpy as jnp
from jax import lax
from jax.experimental import pallas as pl
from jax.experimental.pallas import tpu as pltpu
from jax.experimental.pallas import tpu_sc as plsc

_CROSS_AVG_ERR = 0.25
_CROSS_WEIGHT = 1.0
_MIN_SUPPORT = 20.0
_MAX_BEAR = 20.0

_B = 8
_NP = 2048
_NF = 2048
_KP = 16
_D = 128
_NCHUNK = 4
_QC = _NP // _NCHUNK


def _sc_chamfer_kernel(pts, defo, segp, segf, prm, out,
                       y_v, q_v, sp_v, sf_v, pm_v, res_v):
    c = lax.axis_index("c")
    s = lax.axis_index("s")
    wid = c * 16 + s
    b = wid // _NCHUNK
    ch = wid % _NCHUNK

    pltpu.sync_copy(defo.at[b], y_v)
    pltpu.sync_copy(pts.at[b, ch], q_v)
    pltpu.sync_copy(segp.at[b, pl.ds(ch * _QC, _QC)], sp_v)
    pltpu.sync_copy(segf.at[b, pl.ds(ch * _QC, _QC)], sf_v)
    pltpu.sync_copy(prm.at[b], pm_v)

    m = [pm_v[j, :] for j in range(12)]

    zf = jnp.zeros((16,), jnp.float32)
    inf16 = jnp.full((16,), 1e30, jnp.float32)
    _QB = 8

    def qloop(g, carry):
        acc_sd, acc_kp, acc_kf = carry
        base = g * 16
        qx = q_v[0, pl.ds(base, 16)]
        qy = q_v[1, pl.ds(base, 16)]
        qz = q_v[2, pl.ds(base, 16)]
        tqx = qx * m[0] + qy * m[3] + qz * m[6] + m[9]
        tqy = qx * m[1] + qy * m[4] + qz * m[7] + m[10]
        tqz = qx * m[2] + qy * m[5] + qz * m[8] + m[11]

        for half in range(16 // _QB):
            sx = [jnp.full((16,), tqx[half * _QB + i]) for i in range(_QB)]
            sy = [jnp.full((16,), tqy[half * _QB + i]) for i in range(_QB)]
            sz = [jnp.full((16,), tqz[half * _QB + i]) for i in range(_QB)]

            def kloop(k, minvs):
                yx = y_v[0, pl.ds(k * 16, 16)]
                yy = y_v[1, pl.ds(k * 16, 16)]
                yz = y_v[2, pl.ds(k * 16, 16)]
                out = []
                for i in range(_QB):
                    dx = sx[i] - yx
                    dy = sy[i] - yy
                    dz = sz[i] - yz
                    out.append(jnp.minimum(minvs[i],
                                           dx * dx + dy * dy + dz * dz))
                return tuple(out)

            minvs = lax.fori_loop(0, _NF // 16, kloop,
                                  (inf16,) * _QB, unroll=2)
            for i in range(_QB):
                row = base + half * _QB + i
                chs = jnp.full((16,), jnp.min(minvs[i]))
                srow = sp_v[row, :]
                acc_sd = acc_sd + srow * chs
                acc_kp = acc_kp + srow
                acc_kf = acc_kf + sf_v[row, :]
        return (acc_sd, acc_kp, acc_kf)

    acc_sd, acc_kp, acc_kf = lax.fori_loop(
        0, _QC // 16, qloop, (zf, zf, zf))
    res_v[0, :] = acc_sd
    res_v[1, :] = acc_kp
    res_v[2, :] = acc_kf
    pltpu.sync_copy(res_v, out.at[b, ch])


def _sc_kpsum_kernel(segp, segf, out, sp_v, sf_v, res_v):
    c = lax.axis_index("c")
    s = lax.axis_index("s")
    wid = c * 16 + s
    b = wid // _NCHUNK
    ch = wid % _NCHUNK
    pltpu.sync_copy(segp.at[b, pl.ds(ch * _QC, _QC)], sp_v)
    pltpu.sync_copy(segf.at[b, pl.ds(ch * _QC, _QC)], sf_v)
    zf = jnp.zeros((16,), jnp.float32)

    def rloop(i, carry):
        acc_p, acc_f = carry
        return (acc_p + sp_v[i, :], acc_f + sf_v[i, :])

    acc_p, acc_f = lax.fori_loop(0, _QC, rloop, (zf, zf), unroll=8)
    res_v[0, :] = acc_p
    res_v[1, :] = acc_f
    pltpu.sync_copy(res_v, out.at[b, ch])


def _tc_chamfer_kernel(pt_ref, yt_ref, segp_ref,
                       prm_ref, sd_ref):
    pt = pt_ref[0]
    px, py, pz = pt[0:1, :], pt[1:2, :], pt[2:3, :]
    m = [prm_ref[0, 0, j] for j in range(12)]
    tx = px * m[0] + py * m[3] + pz * m[6] + m[9]
    ty = px * m[1] + py * m[4] + pz * m[7] + m[10]
    tz = px * m[2] + py * m[5] + pz * m[8] + m[11]
    xn2 = tx * tx + ty * ty + tz * tz
    x4 = jnp.concatenate([-2.0 * tx, -2.0 * ty, -2.0 * tz,
                          jnp.ones((1, _NP), jnp.float32)], axis=0)
    yr = yt_ref[0]
    yn2 = (yr[0:1, :] * yr[0:1, :] + yr[1:2, :] * yr[1:2, :]
           + yr[2:3, :] * yr[2:3, :])
    y4t = jnp.concatenate([yr, yn2], axis=0)
    d = jax.lax.dot_general(
        y4t, x4, dimension_numbers=(((0,), (0,)), ((), ())),
        preferred_element_type=jnp.float32)
    cham = jnp.min(d, axis=0, keepdims=True) + xn2
    chamc = jnp.transpose(cham, (1, 0))
    segp = segp_ref[0]
    sd = jnp.sum(segp * chamc, axis=0, keepdims=True)
    sd_ref[...] = sd.reshape(1, 1, _KP)


def _tc_final_kernel(sd_ref, parts_ref, rtf_ref, rtp_ref, out_ref):
    seg2def = sd_ref[:, 0, :]
    tot = (parts_ref[:, 0] + parts_ref[:, 1]
           + parts_ref[:, 2] + parts_ref[:, 3])
    kp_p = tot[:, 0, :]
    kp_f = tot[:, 1, :]
    seg_def = seg2def / kp_p
    rel = jax.nn.sigmoid(seg_def / _CROSS_AVG_ERR)
    rfn = rtf_ref[...] / kp_f[..., None]
    rpn = rtp_ref[...] / kp_p[..., None]
    diff = rfn - rpn
    r_dis = jnp.sum(diff * diff, axis=-1)
    loss_rd = (r_dis - rel) ** 2
    mask = ((kp_p >= _MIN_SUPPORT) & (kp_f >= _MIN_SUPPORT)
            & (loss_rd <= _MAX_BEAR))
    maskf = mask.astype(jnp.float32)
    nofL = jnp.sum(maskf)
    total = jnp.sum(loss_rd * maskf) / (nofL + 1.0) * _CROSS_WEIGHT
    out_ref[...] = jnp.full((1, 1), jnp.where(nofL == 0.0, 0.0, total))


def _tc_tail_kernel(parts_ref, rtf_ref, rtp_ref, out_ref):
    p0 = parts_ref[:, 0, :]
    p1 = parts_ref[:, 1, :]
    p2 = parts_ref[:, 2, :]
    p3 = parts_ref[:, 3, :]
    tot = p0 + p1 + p2 + p3
    seg2def = tot[:, 0:16]
    kp_p = tot[:, 16:32]
    kp_f = tot[:, 32:48]
    seg_def = seg2def / kp_p
    rel = jax.nn.sigmoid(seg_def / _CROSS_AVG_ERR)
    rfn = rtf_ref[...] / kp_f[..., None]
    rpn = rtp_ref[...] / kp_p[..., None]
    diff = rfn - rpn
    r_dis = jnp.sum(diff * diff, axis=-1)
    loss_rd = (r_dis - rel) ** 2
    mask = ((kp_p >= _MIN_SUPPORT) & (kp_f >= _MIN_SUPPORT)
            & (loss_rd <= _MAX_BEAR))
    maskf = mask.astype(jnp.float32)
    nofL = jnp.sum(maskf)
    total = jnp.sum(loss_rd * maskf) / (nofL + 1.0) * _CROSS_WEIGHT
    out_ref[...] = jnp.full((1, 1), jnp.where(nofL == 0.0, 0.0, total))


@jax.jit
def kernel(r_tokens_full, r_tokens_partial, pc_seg_full, pc_seg_partial,
           recon_pc_full, recon_pc_partial, deformed,
           rot_full, t_full, rot_partial, t_partial,
           tgt_rand_rot, tgt_rand_t, src_rand_rot, src_rand_t):
    del recon_pc_full
    r2t = jnp.transpose(tgt_rand_rot, (0, 2, 1))
    r4t = jnp.transpose(rot_full, (0, 2, 1))
    mmat = rot_partial @ r2t @ src_rand_rot @ r4t
    cvec = ((t_partial - tgt_rand_t) @ r2t @ src_rand_rot
            + src_rand_t - t_full) @ r4t
    params = jnp.concatenate(
        [mmat.reshape(_B, 9), cvec.reshape(_B, 3)], axis=1)
    params = params.reshape(_B, 1, 12)
    pt = jnp.transpose(recon_pc_partial, (0, 2, 1))

    mesh = plsc.VectorSubcoreMesh(core_axis_name="c", subcore_axis_name="s")
    kp_parts = functools.partial(
        pl.kernel,
        mesh=mesh,
        compiler_params=pltpu.CompilerParams(
            needs_layout_passes=False, use_tc_tiling_on_sc=False),
        out_type=jax.ShapeDtypeStruct((_B, _NCHUNK, 2, _KP), jnp.float32),
        scratch_types=[
            pltpu.VMEM((_QC, _KP), jnp.float32),
            pltpu.VMEM((_QC, _KP), jnp.float32),
            pltpu.VMEM((2, _KP), jnp.float32),
        ],
    )(_sc_kpsum_kernel)(pc_seg_partial, pc_seg_full)

    sd = pl.pallas_call(
        _tc_chamfer_kernel,
        grid=(_B,),
        in_specs=[
            pl.BlockSpec((1, 3, _NP), lambda b: (b, 0, 0)),
            pl.BlockSpec((1, 3, _NF), lambda b: (b, 0, 0)),
            pl.BlockSpec((1, _NP, _KP), lambda b: (b, 0, 0)),
            pl.BlockSpec((1, 1, 12), lambda b: (b, 0, 0),
                         memory_space=pltpu.SMEM),
        ],
        out_specs=pl.BlockSpec((1, 1, _KP), lambda b: (b, 0, 0)),
        out_shape=jax.ShapeDtypeStruct((_B, 1, _KP), jnp.float32),
        compiler_params=pltpu.CompilerParams(
            dimension_semantics=("arbitrary",)),
    )(pt, deformed, pc_seg_partial, params)

    out = pl.pallas_call(
        _tc_final_kernel,
        out_shape=jax.ShapeDtypeStruct((1, 1), jnp.float32),
    )(sd, kp_parts, r_tokens_full, r_tokens_partial)
    return out[0, 0]

# --- scband reference (transcript-rebuilt; emitter-appended) ---
"""Pipeline reference for scband-retrieval-loss-44212393345714 (READ-ONLY COPY).

The authoritative reference and input builder live on the scoring server;
editing this copy changes nothing except your own understanding.
"""

import jax, jax.numpy as jnp
import numpy as np

CROSS_AVG_ERR = 0.25
CROSS_WEIGHT = 1.0
MIN_SUPPORT = 20.0
MAX_BEAR = 20.0


def setup_inputs(seed: int = 0) -> dict:
    key = jax.random.key(seed)
    ks = jax.random.split(key, 15)
    B, Np, Nf, KP, D = 8, 2048, 2048, 16, 128
    return {
        "r_tokens_full": jax.random.normal(ks[0], (B, KP, D), dtype=jnp.float32),
        "r_tokens_partial": jax.random.normal(ks[1], (B, KP, D), dtype=jnp.float32),
        "pc_seg_full": jax.random.uniform(ks[2], (B, Nf, KP), dtype=jnp.float32),
        "pc_seg_partial": jax.random.uniform(ks[3], (B, Np, KP), dtype=jnp.float32),
        "recon_pc_full": jax.random.normal(ks[4], (B, Nf, 3), dtype=jnp.float32),
        "recon_pc_partial": jax.random.normal(ks[5], (B, Np, 3), dtype=jnp.float32),
        "deformed": jax.random.normal(ks[6], (B, 3, Nf), dtype=jnp.float32),
        "rot_full": jax.random.normal(ks[7], (B, 3, 3), dtype=jnp.float32),
        "t_full": jax.random.normal(ks[8], (B, 1, 3), dtype=jnp.float32),
        "rot_partial": jax.random.normal(ks[9], (B, 3, 3), dtype=jnp.float32),
        "t_partial": jax.random.normal(ks[10], (B, 1, 3), dtype=jnp.float32),
        "tgt_rand_rot": jax.random.normal(ks[11], (B, 3, 3), dtype=jnp.float32),
        "tgt_rand_t": jax.random.normal(ks[12], (B, 1, 3), dtype=jnp.float32),
        "src_rand_rot": jax.random.normal(ks[13], (B, 3, 3), dtype=jnp.float32),
        "src_rand_t": jax.random.normal(ks[14], (B, 1, 3), dtype=jnp.float32),
    }


def _get_cons_shape(p_pc, p_rot, p_t, p_rand_rot, p_rand_t, f_rand_rot, f_rand_t, f_rot, f_t):
    z = jnp.matmul(p_pc, p_rot) + p_t
    z = jnp.matmul(z - p_rand_t, jnp.transpose(p_rand_rot, (0, 2, 1)))
    z = jnp.matmul(z, f_rand_rot) + f_rand_t
    return jnp.matmul(z - f_t, jnp.transpose(f_rot, (0, 2, 1)))


def _knn1_sqdist(x, y):
    # knn_points(x, y, K=1).dists[..., 0] -> min squared euclidean distance
    d2 = (jnp.sum(x * x, -1)[:, :, None]
          + jnp.sum(y * y, -1)[:, None, :]
          - 2.0 * jnp.einsum('bnd,bmd->bnm', x, y))
    return jnp.min(d2, axis=-1)


def reference(r_tokens_full, r_tokens_partial, pc_seg_full, pc_seg_partial,
              recon_pc_full, recon_pc_partial, deformed,
              rot_full, t_full, rot_partial, t_partial,
              tgt_rand_rot, tgt_rand_t, src_rand_rot, src_rand_t):
    kp_p = jnp.sum(pc_seg_partial, axis=1)  # [B, KP]
    kp_f = jnp.sum(pc_seg_full, axis=1)     # [B, KP]
    pc_full_deform = jnp.transpose(deformed, (0, 2, 1))  # [B, Nf, 3]
    p_at_f = _get_cons_shape(recon_pc_partial, rot_partial, t_partial,
                             tgt_rand_rot, tgt_rand_t,
                             src_rand_rot, src_rand_t, rot_full, t_full)
    cham_x = _knn1_sqdist(p_at_f, pc_full_deform)  # [B, Np]
    seg2def = jnp.squeeze(jnp.matmul(jnp.transpose(pc_seg_partial, (0, 2, 1)),
                                     cham_x[..., None]), -1)  # [B, KP]
    seg_def = seg2def / kp_p
    rel = jax.nn.sigmoid(seg_def / CROSS_AVG_ERR)
    rfn = r_tokens_full / kp_f[..., None]
    rpn = r_tokens_partial / kp_p[..., None]
    r_dis = jnp.sum(jnp.power(rfn - rpn, 2.0), axis=-1)
    loss_rd = jnp.power(r_dis - rel, 2.0)
    mask = (kp_p >= MIN_SUPPORT) & (kp_f >= MIN_SUPPORT) & (loss_rd <= MAX_BEAR)
    maskf = mask.astype(jnp.float32)
    nofL = jnp.sum(maskf)
    total = jnp.sum(loss_rd * maskf) / (nofL + 1.0) * CROSS_WEIGHT
    return jnp.where(nofL == 0, jnp.asarray(0.0, jnp.float32), total)

if __name__ == "__main__":
    import jax
    _d = setup_inputs()
    print(jax.jit(kernel)(*tuple(_d.values())))

</pallas_src>

<mosaic_0001>
#map = affine_map<(d0, d1) -> (0, 0, 0)>
#map1 = affine_map<(d0, d1) -> (0, 0, 0, 0)>
module attributes {stable_mosaic.version = 14 : i64} {
  func.func @_sc_kpsum_kernel(%arg0: i32, %arg1: i32, %arg2: memref<8x2048x16xf32, #tpu.memory_space<hbm>>, %arg3: memref<8x2048x16xf32, #tpu.memory_space<hbm>>, %arg4: memref<8x4x2x16xf32, #tpu.memory_space<hbm>>, %arg5: memref<512x16xf32, #tpu.memory_space<vmem>>, %arg6: memref<512x16xf32, #tpu.memory_space<vmem>>, %arg7: memref<2x16xf32, #tpu.memory_space<vmem>>) attributes {dimension_semantics = [#tpu.dimension_semantics<core_parallel>, #tpu.dimension_semantics<subcore_parallel>], iteration_bounds = array<i64: 2, 16>, scalar_prefetch = 0 : i64, scratch_operands = 3 : i64, tpu.core_type = #tpu.core_type<sc_vector_subcore>, window_params = [{transform_indices = #map}, {transform_indices = #map}, {transform_indices = #map1}]} {
    %mul3A = arith.constant 16 : i32
    %mul3A_0 = arith.muli %arg0, %mul3A : i32
    %add3A = arith.addi %mul3A_0, %arg1 : i32
    %jit3A = arith.constant 4 : i32
    %div3A = arith.divsi %add3A, %jit3A : i32
    %sign3A = arith.constant 0 : i32
    %sign3A_1 = arith.cmpi sgt, %add3A, %sign3A : i32
    %sign3A_2 = arith.extui %sign3A_1 : i1 to i32
    %sign3A_3 = arith.constant 0 : i32
    %sign3A_4 = arith.cmpi slt, %add3A, %sign3A_3 : i32
    %sign3A_5 = arith.extui %sign3A_4 : i1 to i32
    %sign3A_6 = arith.subi %sign3A_2, %sign3A_5 : i32
    %sign3A_7 = arith.constant 0 : i32
    %sign3A_8 = arith.cmpi sgt, %jit3A, %sign3A_7 : i32
    %sign3A_9 = arith.extui %sign3A_8 : i1 to i32
    %sign3A_10 = arith.constant 0 : i32
    %sign3A_11 = arith.cmpi slt, %jit3A, %sign3A_10 : i32
    %sign3A_12 = arith.extui %sign3A_11 : i1 to i32
    %sign3A_13 = arith.subi %sign3A_9, %sign3A_12 : i32
    %ne3A = arith.cmpi ne, %sign3A_6, %sign3A_13 : i32
    %rem3A = arith.remsi %add3A, %jit3A : i32
    %ne3A_14 = arith.constant 0 : i32
    %ne3A_15 = arith.cmpi ne, %rem3A, %ne3A_14 : i32
    %and3A = arith.andi %ne3A, %ne3A_15 : i1
    %sub3A = arith.constant 1 : i32
    %sub3A_16 = arith.subi %div3A, %sub3A : i32
    %select_n3A = arith.select %and3A, %sub3A_16, %div3A : i32
    %jit3A_17 = arith.constant 4 : i32
    %eq3A = arith.constant 0 : i32
    %eq3A_18 = arith.cmpi eq, %jit3A_17, %eq3A : i32
    %jit3A_19 = arith.constant 1 : i32
    %select_n3A_20 = arith.select %eq3A_18, %jit3A_19, %jit3A_17 : i32
    %rem3A_21 = arith.remsi %add3A, %select_n3A_20 : i32
    %ne3A_22 = arith.constant 0 : i32
    %ne3A_23 = arith.cmpi ne, %rem3A_21, %ne3A_22 : i32
    %lt3A = arith.constant 0 : i32
    %lt3A_24 = arith.cmpi slt, %rem3A_21, %lt3A : i32
    %lt3A_25 = arith.constant 0 : i32
    %lt3A_26 = arith.cmpi slt, %select_n3A_20, %lt3A_25 : i32
    %ne3A_27 = arith.xori %lt3A_24, %lt3A_26 : i1
    %and3A_28 = arith.andi %ne3A_27, %ne3A_23 : i1
    %add3A_29 = arith.addi %rem3A_21, %select_n3A_20 : i32
    %select_n3A_30 = arith.select %and3A_28, %add3A_29, %rem3A_21 : i32
    %mul3A_31 = arith.constant 512 : i32
    %mul3A_32 = arith.muli %select_n3A_30, %mul3A_31 : i32
    "tpu.region"() ({
      %run_scoped3A = tpu.sem_alloc : memref<!tpu.dma_semaphore, #tpu.memory_space<semaphore_mem>>
      %dma_start3A = arith.constant 0 : i32
      %dma_start3A_48 = tpu.memref_slice %arg2[%select_n3A, %mul3A_32, %dma_start3A] : memref<8x2048x16xf32, #tpu.memory_space<hbm>> -> memref<1x512x16xf32, #tpu.memory_space<hbm>>
      %dma_start3A_49 = tpu.memref_squeeze %dma_start3A_48 : memref<1x512x16xf32, #tpu.memory_space<hbm>> -> memref<512x16xf32, #tpu.memory_space<hbm>>
      %dma_start3A_50 = arith.constant 0 : i32
      %dma_start3A_51 = tpu.memref_slice %arg2[%select_n3A, %mul3A_32, %dma_start3A_50] : memref<8x2048x16xf32, #tpu.memory_space<hbm>> -> memref<1x512x16xf32, #tpu.memory_space<hbm>>
      %dma_start3A_52 = tpu.memref_squeeze %dma_start3A_51 : memref<1x512x16xf32, #tpu.memory_space<hbm>> -> memref<512x16xf32, #tpu.memory_space<hbm>>
      tpu.enqueue_dma source(%dma_start3A_52 : memref<512x16xf32, #tpu.memory_space<hbm>>) target(%arg5 : memref<512x16xf32, #tpu.memory_space<vmem>>) target_semaphore(%run_scoped3A : memref<!tpu.dma_semaphore, #tpu.memory_space<semaphore_mem>>)
      %dma_wait3A = arith.constant 0 : i32
      %dma_wait3A_53 = tpu.memref_slice %arg2[%select_n3A, %mul3A_32, %dma_wait3A] : memref<8x2048x16xf32, #tpu.memory_space<hbm>> -> memref<1x512x16xf32, #tpu.memory_space<hbm>>
      %dma_wait3A_54 = tpu.memref_squeeze %dma_wait3A_53 : memref<1x512x16xf32, #tpu.memory_space<hbm>> -> memref<512x16xf32, #tpu.memory_space<hbm>>
      %dma_wait3A_55 = arith.constant 0 : i32
      %dma_wait3A_56 = tpu.memref_slice %arg2[%select_n3A, %mul3A_32, %dma_wait3A_55] : memref<8x2048x16xf32, #tpu.memory_space<hbm>> -> memref<1x512x16xf32, #tpu.memory_space<hbm>>
      %dma_wait3A_57 = tpu.memref_squeeze %dma_wait3A_56 : memref<1x512x16xf32, #tpu.memory_space<hbm>> -> memref<512x16xf32, #tpu.memory_space<hbm>>
      tpu.wait_dma2 semaphore(%run_scoped3A : memref<!tpu.dma_semaphore, #tpu.memory_space<semaphore_mem>>) src(%dma_wait3A_57 : memref<512x16xf32, #tpu.memory_space<hbm>>) dst(%arg5 : memref<512x16xf32, #tpu.memory_space<vmem>>)
      tpu.yield
    }) : () -> ()
    %mul3A_33 = arith.constant 512 : i32
    %mul3A_34 = arith.muli %select_n3A_30, %mul3A_33 : i32
    "tpu.region"() ({
      %run_scoped3A = tpu.sem_alloc : memref<!tpu.dma_semaphore, #tpu.memory_space<semaphore_mem>>
      %dma_start3A = arith.constant 0 : i32
      %dma_start3A_48 = tpu.memref_slice %arg3[%select_n3A, %mul3A_34, %dma_start3A] : memref<8x2048x16xf32, #tpu.memory_space<hbm>> -> memref<1x512x16xf32, #tpu.memory_space<hbm>>
      %dma_start3A_49 = tpu.memref_squeeze %dma_start3A_48 : memref<1x512x16xf32, #tpu.memory_space<hbm>> -> memref<512x16xf32, #tpu.memory_space<hbm>>
      %dma_start3A_50 = arith.constant 0 : i32
      %dma_start3A_51 = tpu.memref_slice %arg3[%select_n3A, %mul3A_34, %dma_start3A_50] : memref<8x2048x16xf32, #tpu.memory_space<hbm>> -> memref<1x512x16xf32, #tpu.memory_space<hbm>>
      %dma_start3A_52 = tpu.memref_squeeze %dma_start3A_51 : memref<1x512x16xf32, #tpu.memory_space<hbm>> -> memref<512x16xf32, #tpu.memory_space<hbm>>
      tpu.enqueue_dma source(%dma_start3A_52 : memref<512x16xf32, #tpu.memory_space<hbm>>) target(%arg6 : memref<512x16xf32, #tpu.memory_space<vmem>>) target_semaphore(%run_scoped3A : memref<!tpu.dma_semaphore, #tpu.memory_space<semaphore_mem>>)
      %dma_wait3A = arith.constant 0 : i32
      %dma_wait3A_53 = tpu.memref_slice %arg3[%select_n3A, %mul3A_34, %dma_wait3A] : memref<8x2048x16xf32, #tpu.memory_space<hbm>> -> memref<1x512x16xf32, #tpu.memory_space<hbm>>
      %dma_wait3A_54 = tpu.memref_squeeze %dma_wait3A_53 : memref<1x512x16xf32, #tpu.memory_space<hbm>> -> memref<512x16xf32, #tpu.memory_space<hbm>>
      %dma_wait3A_55 = arith.constant 0 : i32
      %dma_wait3A_56 = tpu.memref_slice %arg3[%select_n3A, %mul3A_34, %dma_wait3A_55] : memref<8x2048x16xf32, #tpu.memory_space<hbm>> -> memref<1x512x16xf32, #tpu.memory_space<hbm>>
      %dma_wait3A_57 = tpu.memref_squeeze %dma_wait3A_56 : memref<1x512x16xf32, #tpu.memory_space<hbm>> -> memref<512x16xf32, #tpu.memory_space<hbm>>
      tpu.wait_dma2 semaphore(%run_scoped3A : memref<!tpu.dma_semaphore, #tpu.memory_space<semaphore_mem>>) src(%dma_wait3A_57 : memref<512x16xf32, #tpu.memory_space<hbm>>) dst(%arg6 : memref<512x16xf32, #tpu.memory_space<vmem>>)
      tpu.yield
    }) : () -> ()
    %broadcast_in_dim3A = arith.constant 0.000000e+00 : f32
    %broadcast_in_dim3A_35 = vector.broadcast %broadcast_in_dim3A : f32 to vector<16xf32>
    %scan3A = arith.constant 0 : i32
    %scan3A_36 = arith.constant 512 : i32
    %scan3A_37 = arith.addi %scan3A, %scan3A_36 : i32
    %scan3A_38 = arith.constant 8 : i32
    %scan3A_39:2 = scf.for %scan3A_48 = %scan3A to %scan3A_37 step %scan3A_38 iter_args(%scan3A_49 = %broadcast_in_dim3A_35, %scan3A_50 = %broadcast_in_dim3A_35) -> (vector<16xf32>, vector<16xf32>)  : i32 {
      %get3A = arith.index_cast %scan3A_48 : i32 to index
      %get3A_51 = arith.constant 0 : index
      %get3A_52 = tpu.vector_load %arg5[%get3A, %get3A_51] {strides = array<i32>} : memref<512x16xf32, #tpu.memory_space<vmem>>, vector<16xf32>,
      %add3A_53 = arith.addf %scan3A_49, %get3A_52 : vector<16xf32>
      %get3A_54 = arith.index_cast %scan3A_48 : i32 to index
      %get3A_55 = arith.constant 0 : index
      %get3A_56 = tpu.vector_load %arg6[%get3A_54, %get3A_55] {strides = array<i32>} : memref<512x16xf32, #tpu.memory_space<vmem>>, vector<16xf32>,
      %add3A_57 = arith.addf %scan3A_50, %get3A_56 : vector<16xf32>
      %scan3A_58 = arith.constant 1 : i32
      %scan3A_59 = arith.addi %scan3A_48, %scan3A_58 : i32
      %get3A_60 = arith.index_cast %scan3A_59 : i32 to index
      %get3A_61 = arith.constant 0 : index
      %get3A_62 = tpu.vector_load %arg5[%get3A_60, %get3A_61] {strides = array<i32>} : memref<512x16xf32, #tpu.memory_space<vmem>>, vector<16xf32>,
      %add3A_63 = arith.addf %add3A_53, %get3A_62 : vector<16xf32>
      %get3A_64 = arith.index_cast %scan3A_59 : i32 to index
      %get3A_65 = arith.constant 0 : index
      %get3A_66 = tpu.vector_load %arg6[%get3A_64, %get3A_65] {strides = array<i32>} : memref<512x16xf32, #tpu.memory_space<vmem>>, vector<16xf32>,
      %add3A_67 = arith.addf %add3A_57, %get3A_66 : vector<16xf32>
      %scan3A_68 = arith.constant 2 : i32
      %scan3A_69 = arith.addi %scan3A_48, %scan3A_68 : i32
      %get3A_70 = arith.index_cast %scan3A_69 : i32 to index
      %get3A_71 = arith.constant 0 : index
      %get3A_72 = tpu.vector_load %arg5[%get3A_70, %get3A_71] {strides = array<i32>} : memref<512x16xf32, #tpu.memory_space<vmem>>, vector<16xf32>,
      %add3A_73 = arith.addf %add3A_63, %get3A_72 : vector<16xf32>
      %get3A_74 = arith.index_cast %scan3A_69 : i32 to index
      %get3A_75 = arith.constant 0 : index
      %get3A_76 = tpu.vector_load %arg6[%get3A_74, %get3A_75] {strides = array<i32>} : memref<512x16xf32, #tpu.memory_space<vmem>>, vector<16xf32>,
      %add3A_77 = arith.addf %add3A_67, %get3A_76 : vector<16xf32>
      %scan3A_78 = arith.constant 3 : i32
      %scan3A_79 = arith.addi %scan3A_48, %scan3A_78 : i32
      %get3A_80 = arith.index_cast %scan3A_79 : i32 to index
      %get3A_81 = arith.constant 0 : index
      %get3A_82 = tpu.vector_load %arg5[%get3A_80, %get3A_81] {strides = array<i32>} : memref<512x16xf32, #tpu.memory_space<vmem>>, vector<16xf32>,
      %add3A_83 = arith.addf %add3A_73, %get3A_82 : vector<16xf32>
      %get3A_84 = arith.index_cast %scan3A_79 : i32 to index
      %get3A_85 = arith.constant 0 : index
      %get3A_86 = tpu.vector_load %arg6[%get3A_84, %get3A_85] {strides = array<i32>} : memref<512x16xf32, #tpu.memory_space<vmem>>, vector<16xf32>,
      %add3A_87 = arith.addf %add3A_77, %get3A_86 : vector<16xf32>
      %scan3A_88 = arith.constant 4 : i32
      %scan3A_89 = arith.addi %scan3A_48, %scan3A_88 : i32
      %get3A_90 = arith.index_cast %scan3A_89 : i32 to index
      %get3A_91 = arith.constant 0 : index
      %get3A_92 = tpu.vector_load %arg5[%get3A_90, %get3A_91] {strides = array<i32>} : memref<512x16xf32, #tpu.memory_space<vmem>>, vector<16xf32>,
      %add3A_93 = arith.addf %add3A_83, %get3A_92 : vector<16xf32>
      %get3A_94 = arith.index_cast %scan3A_89 : i32 to index
      %get3A_95 = arith.constant 0 : index
      %get3A_96 = tpu.vector_load %arg6[%get3A_94, %get3A_95] {strides = array<i32>} : memref<512x16xf32, #tpu.memory_space<vmem>>, vector<16xf32>,
      %add3A_97 = arith.addf %add3A_87, %get3A_96 : vector<16xf32>
      %scan3A_98 = arith.constant 5 : i32
      %scan3A_99 = arith.addi %scan3A_48, %scan3A_98 : i32
      %get3A_100 = arith.index_cast %scan3A_99 : i32 to index
      %get3A_101 = arith.constant 0 : index
      %get3A_102 = tpu.vector_load %arg5[%get3A_100, %get3A_101] {strides = array<i32>} : memref<512x16xf32, #tpu.memory_space<vmem>>, vector<16xf32>,
      %add3A_103 = arith.addf %add3A_93, %get3A_102 : vector<16xf32>
      %get3A_104 = arith.index_cast %scan3A_99 : i32 to index
      %get3A_105 = arith.constant 0 : index
      %get3A_106 = tpu.vector_load %arg6[%get3A_104, %get3A_105] {strides = array<i32>} : memref<512x16xf32, #tpu.memory_space<vmem>>, vector<16xf32>,
      %add3A_107 = arith.addf %add3A_97, %get3A_106 : vector<16xf32>
      %scan3A_108 = arith.constant 6 : i32
      %scan3A_109 = arith.addi %scan3A_48, %scan3A_108 : i32
      %get3A_110 = arith.index_cast %scan3A_109 : i32 to index
      %get3A_111 = arith.constant 0 : index
      %get3A_112 = tpu.vector_load %arg5[%get3A_110, %get3A_111] {strides = array<i32>} : memref<512x16xf32, #tpu.memory_space<vmem>>, vector<16xf32>,
      %add3A_113 = arith.addf %add3A_103, %get3A_112 : vector<16xf32>
      %get3A_114 = arith.index_cast %scan3A_109 : i32 to index
      %get3A_115 = arith.constant 0 : index
      %get3A_116 = tpu.vector_load %arg6[%get3A_114, %get3A_115] {strides = array<i32>} : memref<512x16xf32, #tpu.memory_space<vmem>>, vector<16xf32>,
      %add3A_117 = arith.addf %add3A_107, %get3A_116 : vector<16xf32>
      %scan3A_118 = arith.constant 7 : i32
      %scan3A_119 = arith.addi %scan3A_48, %scan3A_118 : i32
      %get3A_120 = arith.index_cast %scan3A_119 : i32 to index
      %get3A_121 = arith.constant 0 : index
      %get3A_122 = tpu.vector_load %arg5[%get3A_120, %get3A_121] {strides = array<i32>} : memref<512x16xf32, #tpu.memory_space<vmem>>, vector<16xf32>,
      %add3A_123 = arith.addf %add3A_113, %get3A_122 : vector<16xf32>
      %get3A_124 = arith.index_cast %scan3A_119 : i32 to index
      %get3A_125 = arith.constant 0 : index
      %get3A_126 = tpu.vector_load %arg6[%get3A_124, %get3A_125] {strides = array<i32>} : memref<512x16xf32, #tpu.memory_space<vmem>>, vector<16xf32>,
      %add3A_127 = arith.addf %add3A_117, %get3A_126 : vector<16xf32>
      scf.yield %add3A_123, %add3A_127 : vector<16xf32>, vector<16xf32>
    }
    %scan3A_40 = arith.constant 512 : i32
    %swap3A = arith.constant 0 : i32
    %swap3A_41 = arith.index_cast %swap3A : i32 to index
    %swap3A_42 = arith.constant 0 : index
    %swap3A_43 = tpu.vector_load %arg7[%swap3A_41, %swap3A_42] {strides = array<i32>} : memref<2x16xf32, #tpu.memory_space<vmem>>, vector<16xf32>,
    tpu.vector_store %arg7[%swap3A_41, %swap3A_42], %scan3A_39#0 {strides = array<i32>} : memref<2x16xf32, #tpu.memory_space<vmem>>, vector<16xf32>,
    %swap3A_44 = arith.constant 1 : i32
    %swap3A_45 = arith.index_cast %swap3A_44 : i32 to index
    %swap3A_46 = arith.constant 0 : index
    %swap3A_47 = tpu.vector_load %arg7[%swap3A_45, %swap3A_46] {strides = array<i32>} : memref<2x16xf32, #tpu.memory_space<vmem>>, vector<16xf32>,
    tpu.vector_store %arg7[%swap3A_45, %swap3A_46], %scan3A_39#1 {strides = array<i32>} : memref<2x16xf32, #tpu.memory_space<vmem>>, vector<16xf32>,
    "tpu.region"() ({
      %run_scoped3A = tpu.sem_alloc : memref<!tpu.dma_semaphore, #tpu.memory_space<semaphore_mem>>
      %dma_start3A = arith.constant 0 : i32
      %dma_start3A_48 = arith.constant 0 : i32
      %dma_start3A_49 = tpu.memref_slice %arg4[%select_n3A, %select_n3A_30, %dma_start3A, %dma_start3A_48] : memref<8x4x2x16xf32, #tpu.memory_space<hbm>> -> memref<1x1x2x16xf32, #tpu.memory_space<hbm>>
      %dma_start3A_50 = tpu.memref_squeeze %dma_start3A_49 : memref<1x1x2x16xf32, #tpu.memory_space<hbm>> -> memref<2x16xf32, #tpu.memory_space<hbm>>
      %dma_start3A_51 = arith.constant 0 : i32
      %dma_start3A_52 = arith.constant 0 : i32
      %dma_start3A_53 = tpu.memref_slice %arg4[%select_n3A, %select_n3A_30, %dma_start3A_51, %dma_start3A_52] : memref<8x4x2x16xf32, #tpu.memory_space<hbm>> -> memref<1x1x2x16xf32, #tpu.memory_space<hbm>>
      %dma_start3A_54 = tpu.memref_squeeze %dma_start3A_53 : memref<1x1x2x16xf32, #tpu.memory_space<hbm>> -> memref<2x16xf32, #tpu.memory_space<hbm>>
      tpu.enqueue_dma source(%arg7 : memref<2x16xf32, #tpu.memory_space<vmem>>) target(%dma_start3A_54 : memref<2x16xf32, #tpu.memory_space<hbm>>) target_semaphore(%run_scoped3A : memref<!tpu.dma_semaphore, #tpu.memory_space<semaphore_mem>>)
      %dma_wait3A = arith.constant 0 : i32
      %dma_wait3A_55 = arith.constant 0 : i32
      %dma_wait3A_56 = tpu.memref_slice %arg4[%select_n3A, %select_n3A_30, %dma_wait3A, %dma_wait3A_55] : memref<8x4x2x16xf32, #tpu.memory_space<hbm>> -> memref<1x1x2x16xf32, #tpu.memory_space<hbm>>
      %dma_wait3A_57 = tpu.memref_squeeze %dma_wait3A_56 : memref<1x1x2x16xf32, #tpu.memory_space<hbm>> -> memref<2x16xf32, #tpu.memory_space<hbm>>
      %dma_wait3A_58 = arith.constant 0 : i32
      %dma_wait3A_59 = arith.constant 0 : i32
      %dma_wait3A_60 = tpu.memref_slice %arg4[%select_n3A, %select_n3A_30, %dma_wait3A_58, %dma_wait3A_59] : memref<8x4x2x16xf32, #tpu.memory_space<hbm>> -> memref<1x1x2x16xf32, #tpu.memory_space<hbm>>
      %dma_wait3A_61 = tpu.memref_squeeze %dma_wait3A_60 : memref<1x1x2x16xf32, #tpu.memory_space<hbm>> -> memref<2x16xf32, #tpu.memory_space<hbm>>
      tpu.wait_dma2 semaphore(%run_scoped3A : memref<!tpu.dma_semaphore, #tpu.memory_space<semaphore_mem>>) src(%arg7 : memref<2x16xf32, #tpu.memory_space<vmem>>) dst(%dma_wait3A_61 : memref<2x16xf32, #tpu.memory_space<hbm>>)
      tpu.yield
    }) : () -> ()
    return
  }
}

module attributes {stable_mosaic.version = 14 : i64} {
  func.func @_tc_chamfer_kernel(%arg0: i32, %arg1: memref<1x3x2048xf32, #tpu.memory_space<vmem>>, %arg2: memref<1x3x2048xf32, #tpu.memory_space<vmem>>, %arg3: memref<1x2048x16xf32, #tpu.memory_space<vmem>>, %arg4: memref<1x1x12xf32, #tpu.memory_space<smem>>, %arg5: memref<1x1x16xf32, #tpu.memory_space<vmem>>) attributes {dimension_semantics = [#tpu.dimension_semantics<arbitrary>], iteration_bounds = array<i64: 8>, scalar_prefetch = 0 : i64, scratch_operands = 0 : i64, tpu.core_type = #tpu.core_type<tc>, window_params = [{transform_indices = @transform_0, window_bounds = array<i64: 1, 3, 2048>}, {transform_indices = @transform_1, window_bounds = array<i64: 1, 3, 2048>}, {transform_indices = @transform_2, window_bounds = array<i64: 1, 2048, 16>}, {transform_indices = @transform_3, window_bounds = array<i64: 1, 1, 12>}, {transform_indices = @transform_4, window_bounds = array<i64: 1, 1, 16>}]} {
    %get3A = arith.constant 0 : index
    %get3A_0 = arith.constant 0 : index
    %get3A_1 = arith.constant 0 : index
    %get3A_2 = vector.load %arg1[%get3A, %get3A_0, %get3A_1] : memref<1x3x2048xf32, #tpu.memory_space<vmem>>, vector<1x3x2048xf32>
    %get3A_3 = vector.shape_cast %get3A_2 : vector<1x3x2048xf32> to vector<3x2048xf32>
    %slice3A = vector.extract_strided_slice %get3A_3 {offsets = [0, 0], sizes = [1, 2048], strides = [1, 1]} : vector<3x2048xf32> to vector<1x2048xf32>
    %slice3A_4 = vector.extract_strided_slice %get3A_3 {offsets = [1, 0], sizes = [1, 2048], strides = [1, 1]} : vector<3x2048xf32> to vector<1x2048xf32>
    %slice3A_5 = vector.extract_strided_slice %get3A_3 {offsets = [2, 0], sizes = [1, 2048], strides = [1, 1]} : vector<3x2048xf32> to vector<1x2048xf32>
    %get3A_6 = arith.constant 0 : index
    %get3A_7 = arith.constant 0 : index
    %get3A_8 = arith.constant 0 : index
    %get3A_9 = memref.load %arg4[%get3A_6, %get3A_7, %get3A_8] : memref<1x1x12xf32, #tpu.memory_space<smem>>
    %get3A_10 = arith.constant 0 : index
    %get3A_11 = arith.constant 0 : index
    %get3A_12 = arith.constant 1 : index
    %get3A_13 = memref.load %arg4[%get3A_10, %get3A_11, %get3A_12] : memref<1x1x12xf32, #tpu.memory_space<smem>>
    %get3A_14 = arith.constant 0 : index
    %get3A_15 = arith.constant 0 : index
    %get3A_16 = arith.constant 2 : index
    %get3A_17 = memref.load %arg4[%get3A_14, %get3A_15, %get3A_16] : memref<1x1x12xf32, #tpu.memory_space<smem>>
    %get3A_18 = arith.constant 0 : index
    %get3A_19 = arith.constant 0 : index
    %get3A_20 = arith.constant 3 : index
    %get3A_21 = memref.load %arg4[%get3A_18, %get3A_19, %get3A_20] : memref<1x1x12xf32, #tpu.memory_space<smem>>
    %get3A_22 = arith.constant 0 : index
    %get3A_23 = arith.constant 0 : index
    %get3A_24 = arith.constant 4 : index
    %get3A_25 = memref.load %arg4[%get3A_22, %get3A_23, %get3A_24] : memref<1x1x12xf32, #tpu.memory_space<smem>>
    %get3A_26 = arith.constant 0 : index
    %get3A_27 = arith.constant 0 : index
    %get3A_28 = arith.constant 5 : index
    %get3A_29 = memref.load %arg4[%get3A_26, %get3A_27, %get3A_28] : memref<1x1x12xf32, #tpu.memory_space<smem>>
    %get3A_30 = arith.constant 0 : index
    %get3A_31 = arith.constant 0 : index
    %get3A_32 = arith.constant 6 : index
    %get3A_33 = memref.load %arg4[%get3A_30, %get3A_31, %get3A_32] : memref<1x1x12xf32, #tpu.memory_space<smem>>
    %get3A_34 = arith.constant 0 : index
    %get3A_35 = arith.constant 0 : index
    %get3A_36 = arith.constant 7 : index
    %get3A_37 = memref.load %arg4[%get3A_34, %get3A_35, %get3A_36] : memref<1x1x12xf32, #tpu.memory_space<smem>>
    %get3A_38 = arith.constant 0 : index
    %get3A_39 = arith.constant 0 : index
    %get3A_40 = arith.constant 8 : index
    %get3A_41 = memref.load %arg4[%get3A_38, %get3A_39, %get3A_40] : memref<1x1x12xf32, #tpu.memory_space<smem>>
    %get3A_42 = arith.constant 0 : index
    %get3A_43 = arith.constant 0 : index
    %get3A_44 = arith.constant 9 : index
    %get3A_45 = memref.load %arg4[%get3A_42, %get3A_43, %get3A_44] : memref<1x1x12xf32, #tpu.memory_space<smem>>
    %get3A_46 = arith.constant 0 : index
    %get3A_47 = arith.constant 0 : index
    %get3A_48 = arith.constant 10 : index
    %get3A_49 = memref.load %arg4[%get3A_46, %get3A_47, %get3A_48] : memref<1x1x12xf32, #tpu.memory_space<smem>>
    %get3A_50 = arith.constant 0 : index
    %get3A_51 = arith.constant 0 : index
    %get3A_52 = arith.constant 11 : index
    %get3A_53 = memref.load %arg4[%get3A_50, %get3A_51, %get3A_52] : memref<1x1x12xf32, #tpu.memory_space<smem>>
    %mul3A = vector.broadcast %get3A_9 : f32 to vector<1x2048xf32>
    %mul3A_54 = arith.mulf %slice3A, %mul3A : vector<1x2048xf32>
    %mul3A_55 = vector.broadcast %get3A_21 : f32 to vector<1x2048xf32>
    %mul3A_56 = arith.mulf %slice3A_4, %mul3A_55 : vector<1x2048xf32>
    %add3A = arith.addf %mul3A_54, %mul3A_56 : vector<1x2048xf32>
    %mul3A_57 = vector.broadcast %get3A_33 : f32 to vector<1x2048xf32>
    %mul3A_58 = arith.mulf %slice3A_5, %mul3A_57 : vector<1x2048xf32>
    %add3A_59 = arith.addf %add3A, %mul3A_58 : vector<1x2048xf32>
    %add3A_60 = vector.broadcast %get3A_45 : f32 to vector<1x2048xf32>
    %add3A_61 = arith.addf %add3A_59, %add3A_60 : vector<1x2048xf32>
    %mul3A_62 = vector.broadcast %get3A_13 : f32 to vector<1x2048xf32>
    %mul3A_63 = arith.mulf %slice3A, %mul3A_62 : vector<1x2048xf32>
    %mul3A_64 = vector.broadcast %get3A_25 : f32 to vector<1x2048xf32>
    %mul3A_65 = arith.mulf %slice3A_4, %mul3A_64 : vector<1x2048xf32>
    %add3A_66 = arith.addf %mul3A_63, %mul3A_65 : vector<1x2048xf32>
    %mul3A_67 = vector.broadcast %get3A_37 : f32 to vector<1x2048xf32>
    %mul3A_68 = arith.mulf %slice3A_5, %mul3A_67 : vector<1x2048xf32>
    %add3A_69 = arith.addf %add3A_66, %mul3A_68 : vector<1x2048xf32>
    %add3A_70 = vector.broadcast %get3A_49 : f32 to vector<1x2048xf32>
    %add3A_71 = arith.addf %add3A_69, %add3A_70 : vector<1x2048xf32>
    %mul3A_72 = vector.broadcast %get3A_17 : f32 to vector<1x2048xf32>
    %mul3A_73 = arith.mulf %slice3A, %mul3A_72 : vector<1x2048xf32>
    %mul3A_74 = vector.broadcast %get3A_29 : f32 to vector<1x2048xf32>
    %mul3A_75 = arith.mulf %slice3A_4, %mul3A_74 : vector<1x2048xf32>
    %add3A_76 = arith.addf %mul3A_73, %mul3A_75 : vector<1x2048xf32>
    %mul3A_77 = vector.broadcast %get3A_41 : f32 to vector<1x2048xf32>
    %mul3A_78 = arith.mulf %slice3A_5, %mul3A_77 : vector<1x2048xf32>
    %add3A_79 = arith.addf %add3A_76, %mul3A_78 : vector<1x2048xf32>
    %add3A_80 = vector.broadcast %get3A_53 : f32 to vector<1x2048xf32>
    %add3A_81 = arith.addf %add3A_79, %add3A_80 : vector<1x2048xf32>
    %mul3A_82 = arith.mulf %add3A_61, %add3A_61 : vector<1x2048xf32>
    %mul3A_83 = arith.mulf %add3A_71, %add3A_71 : vector<1x2048xf32>
    %add3A_84 = arith.addf %mul3A_82, %mul3A_83 : vector<1x2048xf32>
    %mul3A_85 = arith.mulf %add3A_81, %add3A_81 : vector<1x2048xf32>
    %add3A_86 = arith.addf %add3A_84, %mul3A_85 : vector<1x2048xf32>
    %mul3A_87 = arith.constant -2.000000e+00 : f32
    %mul3A_88 = vector.broadcast %mul3A_87 : f32 to vector<1x2048xf32>
    %mul3A_89 = arith.mulf %mul3A_88, %add3A_61 : vector<1x2048xf32>
    %mul3A_90 = arith.constant -2.000000e+00 : f32
    %mul3A_91 = vector.broadcast %mul3A_90 : f32 to vector<1x2048xf32>
    %mul3A_92 = arith.mulf %mul3A_91, %add3A_71 : vector<1x2048xf32>
    %mul3A_93 = arith.constant -2.000000e+00 : f32
    %mul3A_94 = vector.broadcast %mul3A_93 : f32 to vector<1x2048xf32>
    %mul3A_95 = arith.mulf %mul3A_94, %add3A_81 : vector<1x2048xf32>
    %broadcast_in_dim3A = arith.constant 1.000000e+00 : f32
    %broadcast_in_dim3A_96 = vector.broadcast %broadcast_in_dim3A : f32 to vector<1x2048xf32>
    %concatenate3A = tpu.concatenate %mul3A_89, %mul3A_92, %mul3A_95, %broadcast_in_dim3A_96 in 0 : vector<1x2048xf32>, vector<1x2048xf32>, vector<1x2048xf32>, vector<1x2048xf32> -> vector<4x2048xf32>
    %get3A_97 = arith.constant 0 : index
    %get3A_98 = arith.constant 0 : index
    %get3A_99 = arith.constant 0 : index
    %get3A_100 = vector.load %arg2[%get3A_97, %get3A_98, %get3A_99] : memref<1x3x2048xf32, #tpu.memory_space<vmem>>, vector<1x3x2048xf32>
    %get3A_101 = vector.shape_cast %get3A_100 : vector<1x3x2048xf32> to vector<3x2048xf32>
    %slice3A_102 = vector.extract_strided_slice %get3A_101 {offsets = [0, 0], sizes = [1, 2048], strides = [1, 1]} : vector<3x2048xf32> to vector<1x2048xf32>
    %slice3A_103 = vector.extract_strided_slice %get3A_101 {offsets = [0, 0], sizes = [1, 2048], strides = [1, 1]} : vector<3x2048xf32> to vector<1x2048xf32>
    %mul3A_104 = arith.mulf %slice3A_102, %slice3A_103 : vector<1x2048xf32>
    %slice3A_105 = vector.extract_strided_slice %get3A_101 {offsets = [1, 0], sizes = [1, 2048], strides = [1, 1]} : vector<3x2048xf32> to vector<1x2048xf32>
    %slice3A_106 = vector.extract_strided_slice %get3A_101 {offsets = [1, 0], sizes = [1, 2048], strides = [1, 1]} : vector<3x2048xf32> to vector<1x2048xf32>
    %mul3A_107 = arith.mulf %slice3A_105, %slice3A_106 : vector<1x2048xf32>
    %add3A_108 = arith.addf %mul3A_104, %mul3A_107 : vector<1x2048xf32>
    %slice3A_109 = vector.extract_strided_slice %get3A_101 {offsets = [2, 0], sizes = [1, 2048], strides = [1, 1]} : vector<3x2048xf32> to vector<1x2048xf32>
    %slice3A_110 = vector.extract_strided_slice %get3A_101 {offsets = [2, 0], sizes = [1, 2048], strides = [1, 1]} : vector<3x2048xf32> to vector<1x2048xf32>
    %mul3A_111 = arith.mulf %slice3A_109, %slice3A_110 : vector<1x2048xf32>
    %add3A_112 = arith.addf %add3A_108, %mul3A_111 : vector<1x2048xf32>
    %concatenate3A_113 = tpu.concatenate %get3A_101, %add3A_112 in 0 : vector<3x2048xf32>, vector<1x2048xf32> -> vector<4x2048xf32>
    %dot_general3A = arith.constant dense<0.000000e+00> : vector<2048x2048xf32>
    %dot_general3A_114 = tpu.matmul %concatenate3A_113, %concatenate3A, %dot_general3A {dimension_numbers = #tpu.dot_dimension_numbers<[0], [0], [1], [1], [0, 1, 1, 1], [], []>, transpose_lhs_hint = false} : vector<4x2048xf32>, vector<4x2048xf32>, vector<2048x2048xf32> -> vector<2048x2048xf32>
    %reduce_min3A = arith.constant dense<0x7F800000> : vector<2048xf32>
    %reduce_min3A_115 = vector.multi_reduction <minimumf>, %dot_general3A_114, %reduce_min3A [0] : vector<2048x2048xf32> to vector<2048xf32>
    %broadcast_in_dim3A_116 = vector.shape_cast %reduce_min3A_115 : vector<2048xf32> to vector<1x2048xf32>
    %add3A_117 = arith.addf %broadcast_in_dim3A_116, %add3A_86 : vector<1x2048xf32>
    %transpose3A = tpu.transpose %add3A_117, [1, 0] : vector<1x2048xf32> -> vector<2048x1xf32>
    %get3A_118 = arith.constant 0 : index
    %get3A_119 = arith.constant 0 : index
    %get3A_120 = arith.constant 0 : index
    %get3A_121 = vector.load %arg3[%get3A_118, %get3A_119, %get3A_120] : memref<1x2048x16xf32, #tpu.memory_space<vmem>>, vector<1x2048x16xf32>
    %get3A_122 = vector.shape_cast %get3A_121 : vector<1x2048x16xf32> to vector<2048x16xf32>
    %mul3A_123 = vector.broadcast %transpose3A : vector<2048x1xf32> to vector<2048x16xf32>
    %mul3A_124 = arith.mulf %get3A_122, %mul3A_123 : vector<2048x16xf32>
    %reduce_sum3A = arith.constant dense<0.000000e+00> : vector<16xf32>
    %reduce_sum3A_125 = vector.multi_reduction <add>, %mul3A_124, %reduce_sum3A [0] : vector<2048x16xf32> to vector<16xf32>
    %broadcast_in_dim3A_126 = vector.shape_cast %reduce_sum3A_125 : vector<16xf32> to vector<1x16xf32>
    %reshape3A = vector.shape_cast %broadcast_in_dim3A_126 : vector<1x16xf32> to vector<1x1x16xf32>
    %swap3A = arith.constant 0 : index
    %swap3A_127 = arith.constant 0 : index
    %swap3A_128 = arith.constant 0 : index
    %swap3A_129 = vector.load %arg5[%swap3A, %swap3A_127, %swap3A_128] : memref<1x1x16xf32, #tpu.memory_space<vmem>>, vector<1x1x16xf32>
    tpu.vector_store %arg5[%swap3A, %swap3A_127, %swap3A_128], %reshape3A {strides = array<i32>} : memref<1x1x16xf32, #tpu.memory_space<vmem>>, vector<1x1x16xf32>,
    return
  }
  func.func @transform_0(%arg0: i32) -> (i32, i32, i32) {
    %c0_i32 = arith.constant 0 : i32
    %c0_i32_0 = arith.constant 0 : i32
    %c0_i32_1 = arith.constant 0 : i32
    return %arg0, %c0_i32, %c0_i32_0 : i32, i32, i32
  }
  func.func @transform_1(%arg0: i32) -> (i32, i32, i32) {
    %c0_i32 = arith.constant 0 : i32
    %c0_i32_0 = arith.constant 0 : i32
    %c0_i32_1 = arith.constant 0 : i32
    return %arg0, %c0_i32, %c0_i32_0 : i32, i32, i32
  }
  func.func @transform_2(%arg0: i32) -> (i32, i32, i32) {
    %c0_i32 = arith.constant 0 : i32
    %c0_i32_0 = arith.constant 0 : i32
    %c0_i32_1 = arith.constant 0 : i32
    return %arg0, %c0_i32, %c0_i32_0 : i32, i32, i32
  }
  func.func @transform_3(%arg0: i32) -> (i32, i32, i32) {
    %c0_i32 = arith.constant 0 : i32
    %c0_i32_0 = arith.constant 0 : i32
    %c0_i32_1 = arith.constant 0 : i32
    return %arg0, %c0_i32, %c0_i32_0 : i32, i32, i32
  }
  func.func @transform_4(%arg0: i32) -> (i32, i32, i32) {
    %c0_i32 = arith.constant 0 : i32
    %c0_i32_0 = arith.constant 0 : i32
    %c0_i32_1 = arith.constant 0 : i32
    return %arg0, %c0_i32, %c0_i32_0 : i32, i32, i32
  }
}

module attributes {stable_mosaic.version = 14 : i64} {
  func.func @_tc_final_kernel(%arg0: memref<8x1x16xf32, #tpu.memory_space<vmem>>, %arg1: memref<8x4x2x16xf32, #tpu.memory_space<vmem>>, %arg2: memref<8x16x128xf32, #tpu.memory_space<vmem>>, %arg3: memref<8x16x128xf32, #tpu.memory_space<vmem>>, %arg4: memref<1x1xf32, #tpu.memory_space<vmem>>) attributes {dimension_semantics = [], scalar_prefetch = 0 : i64, scratch_operands = 0 : i64, tpu.core_type = #tpu.core_type<tc>} {
    %get3A = arith.constant 0 : index
    %get3A_0 = arith.constant 0 : index
    %get3A_1 = arith.constant 0 : index
    %get3A_2 = vector.load %arg0[%get3A, %get3A_0, %get3A_1] : memref<8x1x16xf32, #tpu.memory_space<vmem>>, vector<8x1x16xf32>
    %get3A_3 = vector.shape_cast %get3A_2 : vector<8x1x16xf32> to vector<8x16xf32>
    %get3A_4 = arith.constant 0 : index
    %get3A_5 = arith.constant 0 : index
    %get3A_6 = arith.constant 0 : index
    %get3A_7 = arith.constant 0 : index
    %get3A_8 = vector.load %arg1[%get3A_4, %get3A_5, %get3A_6, %get3A_7] : memref<8x4x2x16xf32, #tpu.memory_space<vmem>>, vector<8x1x2x16xf32>
    %get3A_9 = vector.shape_cast %get3A_8 : vector<8x1x2x16xf32> to vector<8x2x16xf32>
    %get3A_10 = arith.constant 0 : index
    %get3A_11 = arith.constant 1 : index
    %get3A_12 = arith.constant 0 : index
    %get3A_13 = arith.constant 0 : index
    %get3A_14 = vector.load %arg1[%get3A_10, %get3A_11, %get3A_12, %get3A_13] : memref<8x4x2x16xf32, #tpu.memory_space<vmem>>, vector<8x1x2x16xf32>
    %get3A_15 = vector.shape_cast %get3A_14 : vector<8x1x2x16xf32> to vector<8x2x16xf32>
    %add3A = arith.addf %get3A_9, %get3A_15 : vector<8x2x16xf32>
    %get3A_16 = arith.constant 0 : index
    %get3A_17 = arith.constant 2 : index
    %get3A_18 = arith.constant 0 : index
    %get3A_19 = arith.constant 0 : index
    %get3A_20 = vector.load %arg1[%get3A_16, %get3A_17, %get3A_18, %get3A_19] : memref<8x4x2x16xf32, #tpu.memory_space<vmem>>, vector<8x1x2x16xf32>
    %get3A_21 = vector.shape_cast %get3A_20 : vector<8x1x2x16xf32> to vector<8x2x16xf32>
    %add3A_22 = arith.addf %add3A, %get3A_21 : vector<8x2x16xf32>
    %get3A_23 = arith.constant 0 : index
    %get3A_24 = arith.constant 3 : index
    %get3A_25 = arith.constant 0 : index
    %get3A_26 = arith.constant 0 : index
    %get3A_27 = vector.load %arg1[%get3A_23, %get3A_24, %get3A_25, %get3A_26] : memref<8x4x2x16xf32, #tpu.memory_space<vmem>>, vector<8x1x2x16xf32>
    %get3A_28 = vector.shape_cast %get3A_27 : vector<8x1x2x16xf32> to vector<8x2x16xf32>
    %add3A_29 = arith.addf %add3A_22, %get3A_28 : vector<8x2x16xf32>
    %slice3A = vector.extract_strided_slice %add3A_29 {offsets = [0, 0, 0], sizes = [8, 1, 16], strides = [1, 1, 1]} : vector<8x2x16xf32> to vector<8x1x16xf32>
    %squeeze3A = vector.shape_cast %slice3A : vector<8x1x16xf32> to vector<8x16xf32>
    %slice3A_30 = vector.extract_strided_slice %add3A_29 {offsets = [0, 1, 0], sizes = [8, 1, 16], strides = [1, 1, 1]} : vector<8x2x16xf32> to vector<8x1x16xf32>
    %squeeze3A_31 = vector.shape_cast %slice3A_30 : vector<8x1x16xf32> to vector<8x16xf32>
    %div3A = arith.divf %get3A_3, %squeeze3A : vector<8x16xf32>
    %div3A_32 = arith.constant 2.500000e-01 : f32
    %div3A_33 = vector.broadcast %div3A_32 : f32 to vector<8x16xf32>
    %div3A_34 = arith.divf %div3A, %div3A_33 : vector<8x16xf32>
    %logistic3A = arith.negf %div3A_34 : vector<8x16xf32>
    %logistic3A_35 = math.exp %logistic3A : vector<8x16xf32>
    %logistic3A_36 = arith.constant 1.000000e+00 : f32
    %logistic3A_37 = vector.broadcast %logistic3A_36 : f32 to vector<8x16xf32>
    %logistic3A_38 = arith.addf %logistic3A_37, %logistic3A_35 : vector<8x16xf32>
    %logistic3A_39 = arith.divf %logistic3A_37, %logistic3A_38 : vector<8x16xf32>
    %get3A_40 = arith.constant 0 : index
    %get3A_41 = arith.constant 0 : index
    %get3A_42 = arith.constant 0 : index
    %get3A_43 = vector.load %arg2[%get3A_40, %get3A_41, %get3A_42] : memref<8x16x128xf32, #tpu.memory_space<vmem>>, vector<8x16x128xf32>
    %broadcast_in_dim3A = vector.shape_cast %squeeze3A_31 : vector<8x16xf32> to vector<8x16x1xf32>
    %div3A_44 = vector.broadcast %broadcast_in_dim3A : vector<8x16x1xf32> to vector<8x16x128xf32>
    %div3A_45 = arith.divf %get3A_43, %div3A_44 : vector<8x16x128xf32>
    %get3A_46 = arith.constant 0 : index
    %get3A_47 = arith.constant 0 : index
    %get3A_48 = arith.constant 0 : index
    %get3A_49 = vector.load %arg3[%get3A_46, %get3A_47, %get3A_48] : memref<8x16x128xf32, #tpu.memory_space<vmem>>, vector<8x16x128xf32>
    %broadcast_in_dim3A_50 = vector.shape_cast %squeeze3A : vector<8x16xf32> to vector<8x16x1xf32>
    %div3A_51 = vector.broadcast %broadcast_in_dim3A_50 : vector<8x16x1xf32> to vector<8x16x128xf32>
    %div3A_52 = arith.divf %get3A_49, %div3A_51 : vector<8x16x128xf32>
    %sub3A = arith.subf %div3A_45, %div3A_52 : vector<8x16x128xf32>
    %mul3A = arith.mulf %sub3A, %sub3A : vector<8x16x128xf32>
    %reduce_sum3A = arith.constant dense<0.000000e+00> : vector<8x16xf32>
    %reduce_sum3A_53 = vector.multi_reduction <add>, %mul3A, %reduce_sum3A [2] : vector<8x16x128xf32> to vector<8x16xf32>
    %sub3A_54 = arith.subf %reduce_sum3A_53, %logistic3A_39 : vector<8x16xf32>
    %integer_pow3A = arith.mulf %sub3A_54, %sub3A_54 : vector<8x16xf32>
    %ge3A = arith.constant 2.000000e+01 : f32
    %ge3A_55 = vector.broadcast %ge3A : f32 to vector<8x16xf32>
    %ge3A_56 = arith.cmpf oge, %squeeze3A, %ge3A_55 : vector<8x16xf32>
    %ge3A_57 = arith.constant 2.000000e+01 : f32
    %ge3A_58 = vector.broadcast %ge3A_57 : f32 to vector<8x16xf32>
    %ge3A_59 = arith.cmpf oge, %squeeze3A_31, %ge3A_58 : vector<8x16xf32>
    %and3A = arith.andi %ge3A_56, %ge3A_59 : vector<8x16xi1>
    %le3A = arith.constant 2.000000e+01 : f32
    %le3A_60 = vector.broadcast %le3A : f32 to vector<8x16xf32>
    %le3A_61 = arith.cmpf ole, %integer_pow3A, %le3A_60 : vector<8x16xf32>
    %and3A_62 = arith.andi %and3A, %le3A_61 : vector<8x16xi1>
    %convert_element_type3A = arith.extui %and3A_62 : vector<8x16xi1> to vector<8x16xi32>
    %convert_element_type3A_63 = arith.sitofp %convert_element_type3A : vector<8x16xi32> to vector<8x16xf32>
    %reduce_sum3A_64 = vector.shape_cast %convert_element_type3A_63 : vector<8x16xf32> to vector<1x8x16xf32>
    %reduce_sum3A_65 = arith.constant dense<0.000000e+00> : vector<1xf32>
    %reduce_sum3A_66 = vector.multi_reduction <add>, %reduce_sum3A_64, %reduce_sum3A_65 [1, 2] : vector<1x8x16xf32> to vector<1xf32>
    %reduce_sum3A_67 = vector.shape_cast %reduce_sum3A_66 : vector<1xf32> to vector<1x1x1xf32>
    %reduce_sum3A_68 = vector.extract %reduce_sum3A_67[0, 0, 0] : f32 from vector<1x1x1xf32>
    %mul3A_69 = arith.mulf %integer_pow3A, %convert_element_type3A_63 : vector<8x16xf32>
    %reduce_sum3A_70 = vector.shape_cast %mul3A_69 : vector<8x16xf32> to vector<1x8x16xf32>
    %reduce_sum3A_71 = arith.constant dense<0.000000e+00> : vector<1xf32>
    %reduce_sum3A_72 = vector.multi_reduction <add>, %reduce_sum3A_70, %reduce_sum3A_71 [1, 2] : vector<1x8x16xf32> to vector<1xf32>
    %reduce_sum3A_73 = vector.shape_cast %reduce_sum3A_72 : vector<1xf32> to vector<1x1x1xf32>
    %reduce_sum3A_74 = vector.extract %reduce_sum3A_73[0, 0, 0] : f32 from vector<1x1x1xf32>
    %add3A_75 = arith.constant 1.000000e+00 : f32
    %add3A_76 = arith.addf %reduce_sum3A_68, %add3A_75 : f32
    %div3A_77 = arith.divf %reduce_sum3A_74, %add3A_76 : f32
    %mul3A_78 = arith.constant 1.000000e+00 : f32
    %mul3A_79 = arith.mulf %div3A_77, %mul3A_78 : f32
    %eq3A = arith.constant 0.000000e+00 : f32
    %eq3A_80 = arith.cmpf oeq, %reduce_sum3A_68, %eq3A : f32
    %jit3A = arith.constant 0.000000e+00 : f32
    %select_n3A = arith.select %eq3A_80, %jit3A, %mul3A_79 : f32
    %broadcast_in_dim3A_81 = vector.broadcast %select_n3A : f32 to vector<1x1xf32>
    %swap3A = arith.constant 0 : index
    %swap3A_82 = arith.constant 0 : index
    %swap3A_83 = vector.load %arg4[%swap3A, %swap3A_82] : memref<1x1xf32, #tpu.memory_space<vmem>>, vector<1x1xf32>
    tpu.vector_store %arg4[%swap3A, %swap3A_82], %broadcast_in_dim3A_81 {strides = array<i32>} : memref<1x1xf32, #tpu.memory_space<vmem>>, vector<1x1xf32>,
    return
  }
}

</mosaic_0001>

<sc_bundles>
// kernel: kernel.5.cloned.1.call-start
scs
__scs_entry_jumppad:
0x0: {  	(pc) =	sbr.rel $0x88, $3  }
0x1: {  	(tag) =	ssettag $0x0;
	lr =	simm.s32 $0x1  }
0x2: {  	[smem:$0x3F93] =	sst lr;
	_ =	strace $0xD0000000  }
0x3: {  	_ = 	snop  }
0x4: {  	_ = 	snop  }
0x5: {  	_ = 	snop  }
0x6: {  	_ = 	snop  }
0x7: {  	_ = 	snop  }
__scs_overlays_trampoline_lowered:
0x8: {  	[smem:$0x3FA2] =	sst s0  }
0x9: {  	[smem:$0x3FA3] =	sst s1  }
0xa: {  	[smem:$0x3FA4] =	sst s2  }
0xb: {  	[smem:$0x3FA5] =	sst s3  }
0xc: {  	[smem:$0x3FA6] =	sst s4  }
0xd: {  	[smem:$0x3FA7] =	sst s5  }
0xe: {  	[smem:$0x3FA8] =	sst s6  }
0xf: {  	[smem:$0x3FA9] =	sst s7  }
0x10: {  	[smem:$0x3FAA] =	sst s8  }
0x11: {  	[smem:$0x3FAB] =	sst s9;
	s0 =	simm.s32 @!p0 $0x0  }
0x12: {  	s1 =	sld [smem:$0x3F91];
	s0 =	simm.s32 @p0 $0x1  }
0x13: {  	[smem:$0x3FAC] =	sst s0;
	s0 =	simm.s32 @!p1 $0x0  }
0x14: {  	s2 =	sld [smem:$0x3F90];
	s0 =	simm.s32 @p1 $0x1  }
0x15: {  	[smem:$0x3FAD] =	sst s0;
	s0 =	simm.s32 @!p2 $0x0  }
0x16: {  	s3 =	sld [smem:$0x3FDB];
	s0 =	simm.s32 @p2 $0x1  }
0x17: {  	s4 =	simm.s32 $0x1BF5;
	[smem:$0x3FAF] =	sst s0  }
0x18: {  	s0 =	sld [smem:$0x3F92];
	_ =	swait.ge [sflag:s4], $0x0  }
0x19: {  	s7 =	sld [smem:$0x3F93]  }
0x1a: {  	s8 =	sadd.s32 $0xFFFFE003, lr  }
0x1b: {  	s9 =	sadd.s32 $0xFFFFFEF7, lr;
	s5 =	simm.s32 $0xFFFFFFFF;
	p2 =	slt.u32 s8, $0xFFFFF086  }
0x1c: {  	p1 =	slt.u32 s9, $0xF7A;
	s5 =	simm.s32 @!p2 $0x0  }
0x1d: {  	s5 =	simm.s32 @p1 $0x1;
	p0 =	seq.s32 s7, s2  }
0x1e: {  	s7 =	smul.u32 @!p0 $0xF7A, s2;
	p2 =	seq.s32 @!p0 s5, $0x0  }
0x1f: {  	s9 =	smul.u32 $0xF7A, s1;
	s8 =	simm.s32 @!p0 $0x1BF5;
	p2 =	por !p2, p0  }
0x20: {  	[sflag:s8] =	ssyncset.s32 @!p0 $0xFFFFF086;
	s6 =	sadd.s32 @!p0 s3, s7;
	s7 =	simm.s32 @!p0 $0x108  }
0x21: {  	s3 =	sadd.s32 s3, s9;
	s6 =	sadd.s32 @!p0 $0x88, s6;
	s7 =	simm.s32 @p2 $0x1082  }
0x22: {  	[simem:s7], [sflag:s8] =	dma.local @!p0 [hbm:s6], $0xF7A  }
0x23: {  	s9 =	sor.u32 $0xD0000000, s2;
	s6 =	simm.s32 $0x108;
	_ =	swait.ge @!p0 [sflag:s8], $0x0  }
0x24: {  	s3 =	sadd.s32 $0x88, s3;
	s6 =	simm.s32 @!p1 $0x1082;
	[sflag:s4] =	ssyncset.s32 $0xFFFFF086  }
0x25: {  	[simem:s6], [sflag:s4] =	dma.local [hbm:s3], $0xF7A  }
0x26: {  	[smem:$0x3F93] =	sst s1;
	(tag) =	ssettag s2;
	_ =	strace s9  }
0x27: {  	s1 =	sld [smem:$0x3FA3]  }
0x28: {  	s2 =	sld [smem:$0x3FA4]  }
0x29: {  	s4 =	sld [smem:$0x3FA6]  }
0x2a: {  	p0 =	seq.s32 s5, $0x0;
	s5 =	sld [smem:$0x3FA7]  }
0x2b: {  	s6 =	sld [smem:$0x3FA8]  }
0x2c: {  	s7 =	sld [smem:$0x3FA9]  }
0x2d: {  	s3 =	simm.s32 $0x108;
	s8 =	sld [smem:$0x3FAA]  }
0x2e: {  	s3 =	simm.s32 @!p0 $0x1082;
	s9 =	sld [smem:$0x3FAB]  }
0x2f: {  	lr =	sadd.s32 s0, s3;
	s0 =	sld [smem:$0x3FA2]  }
0x30: {  	s3 =	sld [smem:$0x3FA5]  }
0x31: {  	[smem:$0x3FAE] =	sst s10  }
0x32: {  	s10 =	sld [smem:$0x3FAC];
	_ =	sdelay $0x3  }
0x33: {  	p0 =	seq.s32 s10, $0x1;
	s10 =	sld [smem:$0x3FAE];
	_ =	sdelay $0x3  }
0x34: {  	[smem:$0x3FAE] =	sst s10  }
0x35: {  	s10 =	sld [smem:$0x3FAD];
	_ =	sdelay $0x3  }
0x36: {  	p1 =	seq.s32 s10, $0x1;
	s10 =	sld [smem:$0x3FAE];
	_ =	sdelay $0x3  }
0x37: {  	[smem:$0x3FAE] =	sst s10  }
0x38: {  	s10 =	sld [smem:$0x3FAF]  }
0x39: {  	_ = 	snop;
	(pc) =	sbr.ind lr, $3  }
0x3a: {  	_ = 	snop  }
0x3b: {  	_ = 	snop  }
0x3c: {  	p2 =	seq.s32 s10, $0x1;
	s10 =	sld [smem:$0x3FAE]  }
0x3d: {  	_ =	shalt  }
0x3e: {  	_ =	shalt  }
0x3f: {  	_ =	shalt  }
0x40: {  	_ =	shalt  }
0x41: {  	_ =	shalt  }
0x42: {  	_ =	shalt  }
0x43: {  	_ =	shalt  }
0x44: {  	_ =	shalt  }
0x45: {  	_ =	shalt  }
0x46: {  	_ =	shalt  }
0x47: {  	_ =	shalt  }
0x48: {  	_ =	shalt  }
0x49: {  	_ =	shalt  }
0x4a: {  	_ =	shalt  }
0x4b: {  	_ =	shalt  }
0x4c: {  	_ =	shalt  }
0x4d: {  	_ =	shalt  }
0x4e: {  	_ =	shalt  }
0x4f: {  	_ =	shalt  }
0x50: {  	_ =	shalt  }
0x51: {  	_ =	shalt  }
0x52: {  	_ =	shalt  }
0x53: {  	_ =	shalt  }
0x54: {  	_ =	shalt  }
0x55: {  	_ =	shalt  }
0x56: {  	_ =	shalt  }
0x57: {  	_ =	shalt  }
0x58: {  	_ =	shalt  }
0x59: {  	_ =	shalt  }
0x5a: {  	_ =	shalt  }
0x5b: {  	_ =	shalt  }
0x5c: {  	_ =	shalt  }
0x5d: {  	_ =	shalt  }
0x5e: {  	_ =	shalt  }
0x5f: {  	_ =	shalt  }
0x60: {  	_ =	shalt  }
0x61: {  	_ =	shalt  }
0x62: {  	_ =	shalt  }
0x63: {  	_ =	shalt  }
0x64: {  	_ =	shalt  }
0x65: {  	_ =	shalt  }
0x66: {  	_ =	shalt  }
0x67: {  	_ =	shalt  }
0x68: {  	_ =	shalt  }
0x69: {  	_ =	shalt  }
0x6a: {  	_ =	shalt  }
0x6b: {  	_ =	shalt  }
0x6c: {  	_ =	shalt  }
0x6d: {  	_ =	shalt  }
0x6e: {  	_ =	shalt  }
0x6f: {  	_ =	shalt  }
0x70: {  	_ =	shalt  }
0x71: {  	_ =	shalt  }
0x72: {  	_ =	shalt  }
0x73: {  	_ =	shalt  }
0x74: {  	_ =	shalt  }
0x75: {  	_ =	shalt  }
0x76: {  	_ =	shalt  }
0x77: {  	_ =	shalt  }
0x78: {  	_ =	shalt  }
0x79: {  	_ =	shalt  }
0x7a: {  	_ =	shalt  }
0x7b: {  	_ =	shalt  }
0x7c: {  	_ =	shalt  }
0x7d: {  	_ =	shalt  }
0x7e: {  	_ =	shalt  }
0x7f: {  	_ =	shalt  }
0x80: {  	_ =	shalt  }
0x81: {  	_ =	shalt  }
0x82: {  	_ =	shalt  }
0x83: {  	_ =	shalt  }
0x84: {  	_ =	shalt  }
0x85: {  	_ =	shalt  }
0x86: {  	_ =	shalt  }
0x87: {  	_ =	shalt  }
.Lfunc_end0:
.L_simem_size_0:
called_computation_lowered:
.L_overlay_start_0:
0x88: {  	s2 =	sld [smem:$0x3FD9]  }
0x89: {  	s3 =	sld [smem:$0x3FFE];
	_ =	sdelay $0x1  }
0x8a: {  	s1 =	srdreg.scid  }
0x8b: {  	s0 =	sand.u32 $0x1, s1  }
0x8c: {  	s16 =	sshll.u32 s0, $0xA;
	s2 =	sadd.s32 s3, s2  }
0x8d: {  	s2 =	sadd.s32 s2, s16  }
0x8e: {  	[smem:$0x3FBA] =	sst s2  }
0x8f: {  	_ = 	snop  }
0x90: {  	(tm) =	ssettm $0x1  }
0x91: {  	s17 =	sld [smem:$0x3FFB];
	_ =	sdelay $0x3  }
0x92: {  	_ =	strace s17  }
0x93: {  	s2 =	sld [smem:$0x3FFC];
	_ =	sdelay $0x3  }
0x94: {  	_ =	strace s2  }
0x95: {  	s2 =	sld [smem:$0x3FFD];
	_ =	sdelay $0x3  }
0x96: {  	_ =	strace s2  }
0x97: {  	_ =	strace $0x8FFFFFFF  }
0x98: {  	s18 =	sld [smem:$0x3FDB];
	_ =	sdelay $0x1  }
0x99: {  	s19 =	simm.s32 $_scs_section_size  }
0x9a: {  	s4 =	simm.s32 $_size__tile_overlayer_lowered;
	s5 =	simm.s32 $_tile_overlayer_lowered  }
0x9b: {  	s22 =	simm.s32 $0x1BFF;
	s21 =	sshll.u32 s5, $0x1;
	s2 =	sadd.s32 s19, s18  }
0x9c: {  	s6 =	simm.s32 $0x0;
	s20 =	sshll.u32 s4, $0x1;
	s4 =	sadd.s32 s21, s2  }
0x9d: {  	[timem:s6], [sflag:s22] =	dma.local [hbm:s4], s20  }
0x9e: {  	_ =	swait.ge [sflag:s22], s20  }
0x9f: {  	s3 =	ssub.s32 $0x0, s20;
	[sflag:s22] =	ssyncset.done $0x0  }
0xa0: {  	[sflag:s22] =	ssyncadd.s32 s3;
	_ =	sdelay $0x1  }
0xa1: {  	s23 =	simm.s32 $0x1B8B  }
0xa2: {  	_ =	swait.ge [sflag:s23], $0x1  }
0xa3: {  	[sflag:s23] =	ssyncset.done $0x0  }
0xa4: {  	s25 =	simm.s32 $0x1B8E;
	s24 =	sld [smem:$0x3FFE];
	[sflag:s23] =	ssyncadd.s32 $0xFFFFFFFF  }
0xa5: {  	s26 =	simm.s32 $execute0_lowered;
	[smem:$0x3FD2] =	sst s25  }
0xa6: {  	s4 =	sshll.u32 s26, $0x1;
	_ =	strace $0x80000046;
	[dreg:$0x1] =	wrdreg $0xFFFFFFFF  }
0xa7: {  	s28 =	simm.s32 $_size_execute0_lowered;
	s2 =	sadd.s32 s2, s4;
	[dreg:$0x0] =	wrdreg $0x0  }
0xa8: {  	s4 =	sshll.u32 s28, $0x1;
	[dreg:$0x2] =	wrdreg s2  }
0xa9: {  	[dreg:$0x3] =	wrdreg s4  }
0xaa: {  	[dreg:$0x4] =	wrdreg $0xC0  }
0xab: {  	_ =	task [dreg:s6], $0x5FFFF  }
0xac: {  	[dreg:$0x1] =	wrdreg $0xFFFFFFFF  }
0xad: {  	[dreg:$0x0] =	wrdreg $0x60  }
0xae: {  	[dreg:$0x2] =	wrdreg s24  }
0xaf: {  	[dreg:$0x3] =	wrdreg $0x9  }
0xb0: {  	_ =	task.clear_ibuf [dreg:s6], $0x4FFFF;
	_ =	strace $0x90000046  }
0xb1: {  	s29 =	simm.s32 $0x9;
	_ =	strace $0x80000048  }
0xb2: {  	_ =	swait.ge [sflag:s29], $0x1  }
0xb3: {  	[sflag:s29] =	ssyncadd.s32 $0xFFFFFFFF  }
0xb4: {  	_ =	strace $0x90000048  }
0xb5: {  	_ =	sfence  }
0xb6: {  	s30 =	sld [smem:$0x0];
	_ =	sdelay $0x2  }
0xb7: {  	s31 =	sshll.u32 s1, $0xD;
	s1 =	sshrl.u32 s1, $0x2  }
0xb8: {  	s3 =	sand.u32 $0x4000, s31;
	s1 =	sadd.s32 s1, s30  }
0xb9: {  	s0 =	sor.u32 s3, s0;
	s1 =	sshll.u32 s1, $0x11  }
0xba: {  	s0 =	sor.u32 s1, s0  }
0xbb: {  	s0 =	sadd.s32 $0x8F2B, s0  }
0xbc: {  	[sflag:s0] =	ssyncadd.remote.s32 $0x1  }
0xbd: {  	_ =	sfence.sel $0xFFFF  }
0xbe: {  	[dreg:$0x0] =	wrdreg $0xFFFFFFFF;
	(pc) =	sbr.abs _section_cstart, $3  }
0xbf: {  	[dreg:$0x1] =	wrdreg $0xFFFFFFFF  }
0xc0: {  	_ =	task.clear_ibuf [dreg:s6], $0x2FFFF;
	_ =	strace $0x9FFFFFFF  }
0xc1: {  	(tm) =	ssettm $0x7FFFFFFF  }
tec
execute0_lowered:
.L_overlay_start_1:
0x0: {  	(tag) =	ssettag $0x1  }
0x1: {  	s0 =	srdreg.scid  }
0x2: {  	s4 =	sand.u32 $0x1, s0  }
0x3: {  	s0 =	stileid.u32;
	s1 =	sshll.u32 s4, $0x4  }
0x4: {  	s6 =	rddreg [dreg:$0x0];
	s5 =	sand.u32 $0x3, s0;
	s3 =	sor.u32 s0, s1  }
0x5: {  	s2 =	simm.s32 $0x0;
	p1 =	sne.s32 s5, $0x0;
	p0 =	seq.s32 s3, $0x0  }
0x6: {  	s7 =	simm.s32 $0x1;
	s10 =	simm.s32 $0x0;
	p0 =	por !p1, !p0  }
0x7: {  	[smem:$0x7FF] =	sst s2;
	s4 =	ssub.s32 $0x2, s4;
	p0 =	por !p0, !p0  }
0x8: {  	s1 =	rddreg [dreg:$0x1];
	s3 =	sshrl.u32 s3, $0x2;
	s7 =	simm.s32 @!p0 $0x0  }
0x9: {  	_ =	strace $0x80000047;
	s9 =	sshll.u32 s5, $0xD;
	s7 =	ssub.s32 s3, s7  }
0xa: {  	s5 =	sshll.u32 s5, $0x5;
	s8 =	sshll.u32 s7, $0xF;
	s7 =	sshll.u32 s7, $0x7  }
0xb: {  	s31 =	sshrl.u32 s4, $0x1;
	s8 =	sor.u32 s9, s8;
	s5 =	sor.u32 s5, s7  }
0xc: {  	s3 =	simm.s32 $0x1;
	s8 =	sshrl.u32 s8, $0x3;
	s5 =	sshrl.u32 s5, $0x3  }
0xd: {  	s9 =	simm.s32 $0x4000;
	s30 =	sadd.s32 s8, s6;
	s6 =	sadd.s32 s5, s6  }
0xe: {  	s8 =	ssub.s32 s4, s31;
	s4 =	sadd.s32 $0xE00, s30;
	s5 =	sadd.s32 $0x8E00, s30  }
0xf: {  	s6 =	sadd.s32 $0x10E00, s6;
	s7 =	smax.u32 s8, $0x1;
	s8 =	simm.s32 $0x2000  }
.LBB2_1:
0x10: {  	[tilespmem:s2], [sflag:$0x1] =	stream.linear.gather [hbm4b:s4+s2], $0x2000, $0x38;
	[tilespmem:$0x4020] =	vst v63  }
0x11: {  	_ =	swait.ge [sflag:s3], $0x2000  }
0x12: {  	[sflag:s3] =	ssyncset.done $0x0  }
0x13: {  	[sflag:s3] =	ssyncadd.s32 $0xFFFFE000  }
0x14: {  	[tilespmem:s8], [sflag:$0x1] =	stream.linear.gather [hbm4b:s5+s2], $0x2000, $0x38;
	[tilespmem:$0x4020] =	vst v63  }
0x15: {  	_ =	swait.ge [sflag:s3], $0x2000  }
0x16: {  	[sflag:s3] =	ssyncset.done $0x0  }
0x17: {  	s12 =	simm.s32 $0x2040;
	[sflag:s3] =	ssyncadd.s32 $0xFFFFE000  }
0x18: {  	s11 =	simm.s32 $0x40;
	v0 =	vld [tilespmem:s12+$0xFFFFFFC0]  }
0x19: {  	v1 =	vld [tilespmem:s11+$0xFFFFFFC0]  }
0x1a: {  	v2 =	vld [tilespmem:s12+$0xFFFFFFD0]  }
0x1b: {  	v3 =	vld [tilespmem:s11+$0xFFFFFFD0]  }
0x1c: {  	v4 =	vld [tilespmem:s12+$0xFFFFFFE0]  }
0x1d: {  	v6 =	vimm.f32 $0.0e+00;
	v5 =	vld [tilespmem:s11+$0xFFFFFFE0]  }
0x1e: {  	v7 =	vld [tilespmem:s12+$0xFFFFFFF0];
	v1 =	vadd.f32 v1, v6;
	v0 =	vadd.f32 v0, v6  }
0x1f: {  	v6 =	vld [tilespmem:s11+$0xFFFFFFF0]  }
0x20: {  	v8 =	vld [tilespmem:s12+$0x0];
	v3 =	vadd.f32 v3, v1;
	v0 =	vadd.f32 v2, v0  }
0x21: {  	v9 =	vld [tilespmem:s11+$0x0]  }
0x22: {  	v1 =	vld [tilespmem:s12+$0x10];
	v2 =	vadd.f32 v5, v3;
	v3 =	vadd.f32 v4, v0  }
0x23: {  	v4 =	vld [tilespmem:s11+$0x10]  }
0x24: {  	v0 =	vld [tilespmem:s12+$0x20];
	v5 =	vadd.f32 v6, v2;
	v7 =	vadd.f32 v7, v3  }
0x25: {  	v3 =	vld [tilespmem:s11+$0x20]  }
0x26: {  	v2 =	vld [tilespmem:s12+$0x30];
	v6 =	vadd.f32 v9, v5;
	v7 =	vadd.f32 v8, v7  }
0x27: {  	s13 =	simm.s32 $0x20C0;
	s12 =	simm.s32 $0x0;
	v5 =	vld [tilespmem:s11+$0x30]  }
.LBB2_2:
0x28: {  	v8 =	vld [tilespmem:s13+$0xFFFFFFC0];
	v4 =	vadd.f32 v4, v6;
	v1 =	vadd.f32 v1, v7;
	s11 =	sadd.s32 $0x80, s11  }
0x29: {  	s12 =	sadd.s32 $0x8, s12;
	v6 =	vld [tilespmem:s11+$0xFFFFFFC0]  }
0x2a: {  	p0 =	slt.u32 s12, $0x1F8;
	v7 =	vld [tilespmem:s13+$0xFFFFFFD0];
	v3 =	vadd.f32 v3, v4;
	v0 =	vadd.f32 v0, v1  }
0x2b: {  	v1 =	vld [tilespmem:s11+$0xFFFFFFD0]  }
0x2c: {  	v4 =	vld [tilespmem:s13+$0xFFFFFFE0];
	v3 =	vadd.f32 v5, v3;
	v0 =	vadd.f32 v2, v0  }
0x2d: {  	v2 =	vld [tilespmem:s11+$0xFFFFFFE0]  }
0x2e: {  	v3 =	vadd.f32 v6, v3;
	v0 =	vadd.f32 v8, v0;
	v5 =	vld [tilespmem:s13+$0xFFFFFFF0]  }
0x2f: {  	v6 =	vld [tilespmem:s11+$0xFFFFFFF0]  }
0x30: {  	v1 =	vadd.f32 v1, v3;
	v0 =	vadd.f32 v7, v0;
	v7 =	vld [tilespmem:s13+$0x0]  }
0x31: {  	v8 =	vld [tilespmem:s11+$0x0]  }
0x32: {  	v2 =	vadd.f32 v2, v1;
	v0 =	vadd.f32 v4, v0;
	v1 =	vld [tilespmem:s13+$0x10]  }
.Ltmp0:
0x33: {  	v4 =	vld [tilespmem:s11+$0x10];
	(pc) =	sbr.rel @p0 .LBB2_2-.Ltmp0, $4  }
0x34: {  	v2 =	vadd.f32 v6, v2;
	v5 =	vadd.f32 v5, v0;
	v0 =	vld [tilespmem:s13+$0x20]  }
0x35: {  	v3 =	vld [tilespmem:s11+$0x20]  }
0x36: {  	v6 =	vadd.f32 v8, v2;
	v7 =	vadd.f32 v7, v5;
	v2 =	vld [tilespmem:s13+$0x30]  }
0x37: {  	s13 =	sadd.s32 $0x80, s13;
	v5 =	vld [tilespmem:s11+$0x30]  }
0x38: {  	v4 =	vadd.f32 v4, v6  }
0x39: {  	v1 =	vadd.f32 v1, v7  }
0x3a: {  	v3 =	vadd.f32 v3, v4  }
0x3b: {  	v0 =	vadd.f32 v0, v1  }
0x3c: {  	v63 =	vadd.f32 v5, v3  }
0x3d: {  	s10 =	sadd.s32 $0x1, s10;
	v0 =	vadd.f32 v2, v0  }
0x3e: {  	p0 =	sne.s32 s10, s7;
	[tilespmem:$0x4000] =	vst v63  }
.Ltmp1:
0x3f: {  	[tilespmem:$0x4010] =	vst v0;
	(pc) =	sbr.rel @p0 .LBB2_1-.Ltmp1, $4  }
0x40: {  	[hbm4b:s6+s2] =	stream.linear.scatter [tilespmem:s9], [sflag:$0x1], $0x20, $0x38;
	[tilespmem:$0x4020] =	vst v63  }
0x41: {  	_ =	swait.ge [sflag:s3], $0x20  }
0x42: {  	[sflag:s3] =	ssyncset.done $0x0  }
0x43: {  	[sflag:s3] =	ssyncadd.s32 $0xFFFFFFE0  }
0x44: {  	_ =	sfence.sel $0x180000  }
0x45: {  	[bflag:$0x0] =	sbarrier.arrive $0xFFFF  }
0x46: {  	p0 =	sne.s32 s0, $0x0;
	_ =	strace $0x90000047  }
0x47: {  	s0 =	sadd.s32 @!p0 $0x100000, s1;
	[bflag:$0x2] =	sbarrier.arrive $0xFFFF  }
0x48: {  	[sflag:s0] =	ssyncadd.tile.s32 @!p0 $0x1;
	_ =	shalt  }
.Lfunc_end2:
_tile_overlayer_lowered:
.L_overlay_start_2:
0x49: {  	(tag) =	ssettag $0x2  }
0x4a: {  	s0 =	rddreg [dreg:$0x0];
	s2 =	stileid.u32  }
0x4b: {  	s1 =	rddreg [dreg:$0x1];
	p0 =	sne.s32 s2, $0x0  }
0x4c: {  	s3 =	rddreg [dreg:$0x2];
	[bflag:$0x3] =	sbarrier.arrive $0xFFFF;
	s2 =	simm.s32 @!p0 $0x1C01  }
0x4d: {  	[timem:s3], [sflag:s2] =	dma.local @!p0 [hbm:s0], s1  }
0x4e: {  	s0 =	simm.s32 @!p0 $0x1  }
0x4f: {  	_ =	swait.ge @!p0 [sflag:s0], s1  }
0x50: {  	s1 =	ssub.s32 @!p0 $0x0, s1;
	[sflag:s0] =	ssyncset.done @!p0 $0x0  }
0x51: {  	[sflag:s0] =	ssyncadd.s32 @!p0 s1  }
0x52: {  	[bflag:$0x3] =	sbarrier.arrive $0xFFFF  }
0x53: {  	_ =	shalt  }

</sc_bundles>
